<compile_context>
chip_gen: v7x
topology: tpu7x:2x2x1
jax: 0.10.2.dev20260603
libtpu: 0.0.44.dev20260713+nightly
codegen_flags: <defaults>
</compile_context>

<pallas_src>
import functools

import jax
import jax.numpy as jnp
from jax import lax
from jax.experimental import pallas as pl
from jax.experimental.pallas import tpu as pltpu
from jax.experimental.pallas import tpu_sc as plsc

_L = 2048
_D = 512
_NUM_LABELS = 200
_A = 20
_NCOL = 64
_NEMB = 608
_TL = 2048

_NC = 2
_NS = 16
_NW = _NC * _NS


def _sc_gather_body(idx_hbm, table_hbm, out_hbm, idx_v, rows_v, sem):
    n_per_w = idx_v.shape[0]
    wid = lax.axis_index("s") * _NC + lax.axis_index("c")
    base = wid * n_per_w
    pltpu.sync_copy(idx_hbm.at[pl.ds(base, n_per_w)], idx_v)
    pltpu.async_copy(table_hbm.at[idx_v], rows_v, sem).wait()
    pltpu.sync_copy(rows_v, out_hbm.at[pl.ds(base, n_per_w)])


def _sc_gather(sel_flat, table):
    n = sel_flat.shape[0]
    n_per_w = n // _NW
    mesh = plsc.VectorSubcoreMesh(core_axis_name="c", subcore_axis_name="s")
    return pl.kernel(
        _sc_gather_body,
        mesh=mesh,
        out_type=jax.ShapeDtypeStruct((n, _D), jnp.float32),
        scratch_types=[
            pltpu.VMEM((n_per_w,), jnp.int32),
            pltpu.VMEM((n_per_w, _D), jnp.float32),
            pltpu.SemaphoreType.DMA,
        ],
    )(sel_flat, table)


def _expand_kernel(lo_ref, hi_ref, e_ref, out_ref):
    t = pl.program_id(1)
    e_b = e_ref[0].astype(jnp.bfloat16)
    l0 = t * _TL
    liota = jax.lax.broadcasted_iota(jnp.int32, (_TL, _NCOL), 0) + l0
    lo = lo_ref[0, 0, :]
    hi = hi_ref[0, 0, :]
    c = ((liota >= lo[None, :]) & (liota < hi[None, :])).astype(jnp.bfloat16)
    out_ref[0] = jnp.dot(c, e_b, preferred_element_type=jnp.float32)


def kernel(x, emb_ing, emb_start, emb_end):
    B = x.shape[0]
    s = jnp.clip((x[..., 0] * _L).astype(jnp.int32), 0, _L - 1)
    e = jnp.clip((x[..., 1] * _L).astype(jnp.int32), 0, _L - 1)
    lab = jnp.clip(x[..., 2].astype(jnp.int32), 0, _NUM_LABELS - 1)
    v = (s < e).astype(jnp.int32)
    pad = jnp.zeros((B, _NCOL - 3 * _A), jnp.int32)
    lo = jnp.concatenate([s, s, e, pad], axis=1)[:, None, :]
    hi = jnp.concatenate([e, s + v, e + v, pad], axis=1)[:, None, :]
    sel = jnp.concatenate([lab, lab + _NUM_LABELS, lab + 2 * _NUM_LABELS,
                           pad + 3 * _NUM_LABELS], axis=1)
    emb_cat = jnp.concatenate(
        [emb_ing, emb_start, emb_end,
         jnp.zeros((_NEMB - 3 * _NUM_LABELS, _D), jnp.float32)], axis=0)

    e_rows = _sc_gather(sel.reshape(B * _NCOL), emb_cat)
    e_rows = e_rows.reshape(B, _NCOL, _D)

    return pl.pallas_call(
        _expand_kernel,
        grid=(B, _L // _TL),
        in_specs=[
            pl.BlockSpec((1, 1, _NCOL), lambda b, t: (b, 0, 0)),
            pl.BlockSpec((1, 1, _NCOL), lambda b, t: (b, 0, 0)),
            pl.BlockSpec((1, _NCOL, _D), lambda b, t: (b, 0, 0)),
        ],
        out_specs=pl.BlockSpec((1, _TL, _D), lambda b, t: (b, t, 0)),
        out_shape=jax.ShapeDtypeStruct((B, _L, _D), jnp.float32),
    )(lo, hi, e_rows)

# --- scband reference (transcript-rebuilt; emitter-appended) ---
"""Pipeline reference for scband-text-embedding2-35613868818659 (READ-ONLY COPY).

The authoritative reference and input builder live on the scoring server;
editing this copy changes nothing except your own understanding.
"""

import jax, jax.numpy as jnp
import numpy as np

B, A, L, D, NUM_LABELS = 64, 20, 2048, 512, 200


def setup_inputs(seed: int = 0) -> dict:
    key = jax.random.key(seed)
    k1, k2, k3, k4, k5, k6 = jax.random.split(key, 6)
    # action tuples: (start_frac, end_frac, label) with label stored as an integer-valued float,
    # matching the torch module's B x actions x 3 input convention
    starts = jax.random.uniform(k1, (B, A), dtype=jnp.float32) * 0.8
    lens = jax.random.uniform(k2, (B, A), dtype=jnp.float32) * 0.2 + 0.01
    ends = jnp.clip(starts + lens, 0.0, 0.999)
    labels = jax.random.randint(k3, (B, A), 0, NUM_LABELS).astype(jnp.float32)
    x = jnp.stack([starts, ends, labels], axis=-1)
    # precomputed CLIP text embeddings for 'ing' / 'start' / 'end' phrases, one row per label
    emb_ing = jax.random.normal(k4, (NUM_LABELS, D), dtype=jnp.float32)
    emb_start = jax.random.normal(k5, (NUM_LABELS, D), dtype=jnp.float32)
    emb_end = jax.random.normal(k6, (NUM_LABELS, D), dtype=jnp.float32)
    return {"x": x, "emb_ing": emb_ing, "emb_start": emb_start, "emb_end": emb_end}


def reference(x, emb_ing, emb_start, emb_end):
    seq_len = L
    s = jnp.clip((x[..., 0] * seq_len).astype(jnp.int32), 0, seq_len - 1)  # [B, A]
    e = jnp.clip((x[..., 1] * seq_len).astype(jnp.int32), 0, seq_len - 1)  # [B, A]
    lab = jnp.clip(x[..., 2].astype(jnp.int32), 0, NUM_LABELS - 1)         # [B, A]
    valid = (s < e).astype(jnp.float32)[..., None]                          # skip degenerate actions
    # gather per-action label embeddings (zeroed where invalid)
    e_ing = jnp.take(emb_ing, lab, axis=0) * valid      # [B, A, D]
    e_st = jnp.take(emb_start, lab, axis=0) * valid
    e_en = jnp.take(emb_end, lab, axis=0) * valid
    b_idx = jnp.broadcast_to(jnp.arange(x.shape[0])[:, None], s.shape)      # [B, A]
    # range-add mask_ing[start:end] via difference trick: +emb at start, -emb at end, cumsum over seq
    d = jnp.zeros((x.shape[0], seq_len, e_ing.shape[-1]), jnp.float32)
    d = d.at[b_idx, s].add(e_ing)
    d = d.at[b_idx, e].add(-e_ing)
    out = jnp.cumsum(d, axis=1)                                             # [B, L, D]
    # point scatters for the start/end markers (start position also retains the 'ing' contribution)
    out = out.at[b_idx, s].add(e_st)
    out = out.at[b_idx, e].add(e_en)
    return out

if __name__ == "__main__":
    import jax
    _d = setup_inputs()
    print(jax.jit(kernel)(*tuple(_d.values())))

</pallas_src>

<mosaic_0001>
#map = affine_map<(d0, d1) -> (0)>
#map1 = affine_map<(d0, d1) -> (0, 0)>
module attributes {stable_mosaic.version = 14 : i64} {
  func.func @_sc_gather_body(%arg0: i32, %arg1: i32, %arg2: memref<4096xi32, #tpu.memory_space<hbm>>, %arg3: memref<608x512xf32, #tpu.memory_space<hbm>>, %arg4: memref<4096x512xf32, #tpu.memory_space<hbm>>, %arg5: memref<128xi32, #tpu.memory_space<vmem>>, %arg6: memref<128x512xf32, #tpu.memory_space<vmem>>, %arg7: memref<!tpu.dma_semaphore, #tpu.memory_space<semaphore_mem>>) attributes {dimension_semantics = [#tpu.dimension_semantics<core_parallel>, #tpu.dimension_semantics<subcore_parallel>], iteration_bounds = array<i64: 2, 16>, scalar_prefetch = 0 : i64, scratch_operands = 3 : i64, tpu.core_type = #tpu.core_type<sc_vector_subcore>, window_params = [{transform_indices = #map}, {transform_indices = #map1}, {transform_indices = #map1}]} {
    %mul3A = arith.constant 2 : i32
    %mul3A_0 = arith.muli %arg1, %mul3A : i32
    %add3A = arith.addi %mul3A_0, %arg0 : i32
    %mul3A_1 = arith.constant 128 : i32
    %mul3A_2 = arith.muli %add3A, %mul3A_1 : i32
    "tpu.region"() ({
      %run_scoped3A = tpu.sem_alloc : memref<!tpu.dma_semaphore, #tpu.memory_space<semaphore_mem>>
      %dma_start3A_7 = tpu.memref_slice %arg2[%mul3A_2] : memref<4096xi32, #tpu.memory_space<hbm>> -> memref<128xi32, #tpu.memory_space<hbm>>
      %dma_start3A_8 = tpu.memref_slice %arg2[%mul3A_2] : memref<4096xi32, #tpu.memory_space<hbm>> -> memref<128xi32, #tpu.memory_space<hbm>>
      tpu.enqueue_dma source(%dma_start3A_8 : memref<128xi32, #tpu.memory_space<hbm>>) target(%arg5 : memref<128xi32, #tpu.memory_space<vmem>>) target_semaphore(%run_scoped3A : memref<!tpu.dma_semaphore, #tpu.memory_space<semaphore_mem>>)
      %dma_wait3A_9 = tpu.memref_slice %arg2[%mul3A_2] : memref<4096xi32, #tpu.memory_space<hbm>> -> memref<128xi32, #tpu.memory_space<hbm>>
      %dma_wait3A_10 = tpu.memref_slice %arg2[%mul3A_2] : memref<4096xi32, #tpu.memory_space<hbm>> -> memref<128xi32, #tpu.memory_space<hbm>>
      tpu.wait_dma2 semaphore(%run_scoped3A : memref<!tpu.dma_semaphore, #tpu.memory_space<semaphore_mem>>) src(%dma_wait3A_10 : memref<128xi32, #tpu.memory_space<hbm>>) dst(%arg5 : memref<128xi32, #tpu.memory_space<vmem>>)
      tpu.yield
    }) : () -> ()
    %dma_start3A = arith.constant 0 : i32
    %dma_start3A_3 = arith.constant 0 : i32
    %dma_start3A_4 = tpu.memref_slice %arg3[%dma_start3A, %dma_start3A_3] : memref<608x512xf32, #tpu.memory_space<hbm>> -> memref<608x512xf32, #tpu.memory_space<hbm>>
    tpu.enqueue_indirect_dma source(%dma_start3A_4 : memref<608x512xf32, #tpu.memory_space<hbm>>) target(%arg6 : memref<128x512xf32, #tpu.memory_space<vmem>>) offsets(%arg5 : memref<128xi32, #tpu.memory_space<vmem>>) semaphore(%arg7 : memref<!tpu.dma_semaphore, #tpu.memory_space<semaphore_mem>>)
    %dma_wait3A = arith.constant 0 : i32
    %dma_wait3A_5 = arith.constant 0 : i32
    %dma_wait3A_6 = tpu.memref_slice %arg3[%dma_wait3A, %dma_wait3A_5] : memref<608x512xf32, #tpu.memory_space<hbm>> -> memref<608x512xf32, #tpu.memory_space<hbm>>
    tpu.wait_indirect_dma semaphore(%arg7 : memref<!tpu.dma_semaphore, #tpu.memory_space<semaphore_mem>>) src(%dma_wait3A_6 : memref<608x512xf32, #tpu.memory_space<hbm>>) dst(%arg6 : memref<128x512xf32, #tpu.memory_space<vmem>>)
    "tpu.region"() ({
      %run_scoped3A = tpu.sem_alloc : memref<!tpu.dma_semaphore, #tpu.memory_space<semaphore_mem>>
      %dma_start3A_7 = arith.constant 0 : i32
      %dma_start3A_8 = tpu.memref_slice %arg4[%mul3A_2, %dma_start3A_7] : memref<4096x512xf32, #tpu.memory_space<hbm>> -> memref<128x512xf32, #tpu.memory_space<hbm>>
      %dma_start3A_9 = arith.constant 0 : i32
      %dma_start3A_10 = tpu.memref_slice %arg4[%mul3A_2, %dma_start3A_9] : memref<4096x512xf32, #tpu.memory_space<hbm>> -> memref<128x512xf32, #tpu.memory_space<hbm>>
      tpu.enqueue_dma source(%arg6 : memref<128x512xf32, #tpu.memory_space<vmem>>) target(%dma_start3A_10 : memref<128x512xf32, #tpu.memory_space<hbm>>) target_semaphore(%run_scoped3A : memref<!tpu.dma_semaphore, #tpu.memory_space<semaphore_mem>>)
      %dma_wait3A_11 = arith.constant 0 : i32
      %dma_wait3A_12 = tpu.memref_slice %arg4[%mul3A_2, %dma_wait3A_11] : memref<4096x512xf32, #tpu.memory_space<hbm>> -> memref<128x512xf32, #tpu.memory_space<hbm>>
      %dma_wait3A_13 = arith.constant 0 : i32
      %dma_wait3A_14 = tpu.memref_slice %arg4[%mul3A_2, %dma_wait3A_13] : memref<4096x512xf32, #tpu.memory_space<hbm>> -> memref<128x512xf32, #tpu.memory_space<hbm>>
      tpu.wait_dma2 semaphore(%run_scoped3A : memref<!tpu.dma_semaphore, #tpu.memory_space<semaphore_mem>>) src(%arg6 : memref<128x512xf32, #tpu.memory_space<vmem>>) dst(%dma_wait3A_14 : memref<128x512xf32, #tpu.memory_space<hbm>>)
      tpu.yield
    }) : () -> ()
    return
  }
}

module attributes {stable_mosaic.version = 14 : i64} {
  func.func @_expand_kernel(%arg0: i32, %arg1: i32, %arg2: memref<1x1x64xi32, #tpu.memory_space<vmem>>, %arg3: memref<1x1x64xi32, #tpu.memory_space<vmem>>, %arg4: memref<1x64x512xf32, #tpu.memory_space<vmem>>, %arg5: memref<1x2048x512xf32, #tpu.memory_space<vmem>>) attributes {dimension_semantics = [#tpu.dimension_semantics<arbitrary>, #tpu.dimension_semantics<arbitrary>], iteration_bounds = array<i64: 64, 1>, scalar_prefetch = 0 : i64, scratch_operands = 0 : i64, tpu.core_type = #tpu.core_type<tc>, window_params = [{transform_indices = @transform_0, window_bounds = array<i64: 1, 1, 64>}, {transform_indices = @transform_1, window_bounds = array<i64: 1, 1, 64>}, {transform_indices = @transform_2, window_bounds = array<i64: 1, 64, 512>}, {transform_indices = @transform_3, window_bounds = array<i64: 1, 2048, 512>}]} {
    %get3A = arith.constant 0 : index
    %get3A_0 = arith.constant 0 : index
    %get3A_1 = arith.constant 0 : index
    %get3A_2 = vector.load %arg4[%get3A, %get3A_0, %get3A_1] : memref<1x64x512xf32, #tpu.memory_space<vmem>>, vector<1x64x512xf32>
    %get3A_3 = vector.shape_cast %get3A_2 : vector<1x64x512xf32> to vector<64x512xf32>
    %convert_element_type3A = arith.truncf %get3A_3 : vector<64x512xf32> to vector<64x512xbf16>
    %mul3A = arith.constant 2048 : i32
    %mul3A_4 = arith.muli %arg1, %mul3A : i32
    %iota3A = tpu.iota {dimensions = array<i32: 0>} : vector<2048x64xi32>
    %add3A = vector.broadcast %mul3A_4 : i32 to vector<2048x64xi32>
    %add3A_5 = arith.addi %iota3A, %add3A : vector<2048x64xi32>
    %get3A_6 = arith.constant 0 : index
    %get3A_7 = arith.constant 0 : index
    %get3A_8 = arith.constant 0 : index
    %get3A_9 = vector.load %arg2[%get3A_6, %get3A_7, %get3A_8] : memref<1x1x64xi32, #tpu.memory_space<vmem>>, vector<1x1x64xi32>
    %get3A_10 = vector.shape_cast %get3A_9 : vector<1x1x64xi32> to vector<64xi32>
    %get3A_11 = arith.constant 0 : index
    %get3A_12 = arith.constant 0 : index
    %get3A_13 = arith.constant 0 : index
    %get3A_14 = vector.load %arg3[%get3A_11, %get3A_12, %get3A_13] : memref<1x1x64xi32, #tpu.memory_space<vmem>>, vector<1x1x64xi32>
    %get3A_15 = vector.shape_cast %get3A_14 : vector<1x1x64xi32> to vector<64xi32>
    %broadcast_in_dim3A = vector.shape_cast %get3A_10 : vector<64xi32> to vector<1x64xi32>
    %ge3A = vector.broadcast %broadcast_in_dim3A : vector<1x64xi32> to vector<2048x64xi32>
    %ge3A_16 = arith.cmpi sge, %add3A_5, %ge3A : vector<2048x64xi32>
    %broadcast_in_dim3A_17 = vector.shape_cast %get3A_15 : vector<64xi32> to vector<1x64xi32>
    %lt3A = vector.broadcast %broadcast_in_dim3A_17 : vector<1x64xi32> to vector<2048x64xi32>
    %lt3A_18 = arith.cmpi slt, %add3A_5, %lt3A : vector<2048x64xi32>
    %and3A = arith.andi %ge3A_16, %lt3A_18 : vector<2048x64xi1>
    %convert_element_type3A_19 = arith.extui %and3A : vector<2048x64xi1> to vector<2048x64xi32>
    %convert_element_type3A_20 = arith.sitofp %convert_element_type3A_19 : vector<2048x64xi32> to vector<2048x64xf32>
    %convert_element_type3A_21 = arith.truncf %convert_element_type3A_20 : vector<2048x64xf32> to vector<2048x64xbf16>
    %dot_general3A = arith.constant dense<0.000000e+00> : vector<2048x512xf32>
    %dot_general3A_22 = tpu.matmul %convert_element_type3A_21, %convert_element_type3A, %dot_general3A {dimension_numbers = #tpu.dot_dimension_numbers<[1], [0], [0], [1], [0, 0, 1, 1], [], []>, transpose_lhs_hint = false} : vector<2048x64xbf16>, vector<64x512xbf16>, vector<2048x512xf32> -> vector<2048x512xf32>
    %swap3A = arith.constant 0 : index
    %swap3A_23 = arith.constant 0 : index
    %swap3A_24 = arith.constant 0 : index
    %swap3A_25 = vector.load %arg5[%swap3A, %swap3A_23, %swap3A_24] : memref<1x2048x512xf32, #tpu.memory_space<vmem>>, vector<1x2048x512xf32>
    %swap3A_26 = vector.shape_cast %swap3A_25 : vector<1x2048x512xf32> to vector<2048x512xf32>
    %swap3A_27 = vector.shape_cast %dot_general3A_22 : vector<2048x512xf32> to vector<1x2048x512xf32>
    tpu.vector_store %arg5[%swap3A, %swap3A_23, %swap3A_24], %swap3A_27 {strides = array<i32>} : memref<1x2048x512xf32, #tpu.memory_space<vmem>>, vector<1x2048x512xf32>,
    return
  }
  func.func @transform_0(%arg0: i32, %arg1: i32) -> (i32, i32, i32) {
    %c0_i32 = arith.constant 0 : i32
    %c0_i32_0 = arith.constant 0 : i32
    %c0_i32_1 = arith.constant 0 : i32
    return %arg0, %c0_i32, %c0_i32_0 : i32, i32, i32
  }
  func.func @transform_1(%arg0: i32, %arg1: i32) -> (i32, i32, i32) {
    %c0_i32 = arith.constant 0 : i32
    %c0_i32_0 = arith.constant 0 : i32
    %c0_i32_1 = arith.constant 0 : i32
    return %arg0, %c0_i32, %c0_i32_0 : i32, i32, i32
  }
  func.func @transform_2(%arg0: i32, %arg1: i32) -> (i32, i32, i32) {
    %c0_i32 = arith.constant 0 : i32
    %c0_i32_0 = arith.constant 0 : i32
    %c0_i32_1 = arith.constant 0 : i32
    return %arg0, %c0_i32, %c0_i32_0 : i32, i32, i32
  }
  func.func @transform_3(%arg0: i32, %arg1: i32) -> (i32, i32, i32) {
    %c0_i32 = arith.constant 0 : i32
    %c0_i32_0 = arith.constant 0 : i32
    return %arg0, %arg1, %c0_i32 : i32, i32, i32
  }
}

</mosaic_0001>

<sc_bundles>
// kernel: kernel.4.cloned.1.call-start
scs
__scs_entry_jumppad:
0x0: {  	(pc) =	sbr.rel $0x88, $3  }
0x1: {  	(tag) =	ssettag $0x0;
	lr =	simm.s32 $0x1  }
0x2: {  	[smem:$0x3F9D] =	sst lr;
	_ =	strace $0xD0000000  }
0x3: {  	_ = 	snop  }
0x4: {  	_ = 	snop  }
0x5: {  	_ = 	snop  }
0x6: {  	_ = 	snop  }
0x7: {  	_ = 	snop  }
__scs_overlays_trampoline_lowered:
0x8: {  	[smem:$0x3FAC] =	sst s0  }
0x9: {  	[smem:$0x3FAD] =	sst s1  }
0xa: {  	[smem:$0x3FAE] =	sst s2  }
0xb: {  	[smem:$0x3FAF] =	sst s3  }
0xc: {  	[smem:$0x3FB0] =	sst s4  }
0xd: {  	[smem:$0x3FB1] =	sst s5  }
0xe: {  	[smem:$0x3FB2] =	sst s6  }
0xf: {  	[smem:$0x3FB3] =	sst s7  }
0x10: {  	[smem:$0x3FB4] =	sst s8  }
0x11: {  	[smem:$0x3FB5] =	sst s9;
	s0 =	simm.s32 @!p0 $0x0  }
0x12: {  	s1 =	sld [smem:$0x3F9B];
	s0 =	simm.s32 @p0 $0x1  }
0x13: {  	[smem:$0x3FB6] =	sst s0;
	s0 =	simm.s32 @!p1 $0x0  }
0x14: {  	s2 =	sld [smem:$0x3F9A];
	s0 =	simm.s32 @p1 $0x1  }
0x15: {  	[smem:$0x3FB7] =	sst s0;
	s0 =	simm.s32 @!p2 $0x0  }
0x16: {  	s3 =	sld [smem:$0x3FDB];
	s0 =	simm.s32 @p2 $0x1  }
0x17: {  	s4 =	simm.s32 $0x1BF5;
	[smem:$0x3FB9] =	sst s0  }
0x18: {  	s0 =	sld [smem:$0x3F9C];
	_ =	swait.ge [sflag:s4], $0x0  }
0x19: {  	s7 =	sld [smem:$0x3F9D]  }
0x1a: {  	s8 =	sadd.s32 $0xFFFFE003, lr  }
0x1b: {  	s9 =	sadd.s32 $0xFFFFFEF7, lr;
	s5 =	simm.s32 $0xFFFFFFFF;
	p2 =	slt.u32 s8, $0xFFFFF086  }
0x1c: {  	p1 =	slt.u32 s9, $0xF7A;
	s5 =	simm.s32 @!p2 $0x0  }
0x1d: {  	s5 =	simm.s32 @p1 $0x1;
	p0 =	seq.s32 s7, s2  }
0x1e: {  	s7 =	smul.u32 @!p0 $0xF7A, s2;
	p2 =	seq.s32 @!p0 s5, $0x0  }
0x1f: {  	s9 =	smul.u32 $0xF7A, s1;
	s8 =	simm.s32 @!p0 $0x1BF5;
	p2 =	por !p2, p0  }
0x20: {  	[sflag:s8] =	ssyncset.s32 @!p0 $0xFFFFF086;
	s6 =	sadd.s32 @!p0 s3, s7;
	s7 =	simm.s32 @!p0 $0x108  }
0x21: {  	s3 =	sadd.s32 s3, s9;
	s6 =	sadd.s32 @!p0 $0x88, s6;
	s7 =	simm.s32 @p2 $0x1082  }
0x22: {  	[simem:s7], [sflag:s8] =	dma.local @!p0 [hbm:s6], $0xF7A  }
0x23: {  	s9 =	sor.u32 $0xD0000000, s2;
	s6 =	simm.s32 $0x108;
	_ =	swait.ge @!p0 [sflag:s8], $0x0  }
0x24: {  	s3 =	sadd.s32 $0x88, s3;
	s6 =	simm.s32 @!p1 $0x1082;
	[sflag:s4] =	ssyncset.s32 $0xFFFFF086  }
0x25: {  	[simem:s6], [sflag:s4] =	dma.local [hbm:s3], $0xF7A  }
0x26: {  	[smem:$0x3F9D] =	sst s1;
	(tag) =	ssettag s2;
	_ =	strace s9  }
0x27: {  	s1 =	sld [smem:$0x3FAD]  }
0x28: {  	s2 =	sld [smem:$0x3FAE]  }
0x29: {  	s4 =	sld [smem:$0x3FB0]  }
0x2a: {  	p0 =	seq.s32 s5, $0x0;
	s5 =	sld [smem:$0x3FB1]  }
0x2b: {  	s6 =	sld [smem:$0x3FB2]  }
0x2c: {  	s7 =	sld [smem:$0x3FB3]  }
0x2d: {  	s3 =	simm.s32 $0x108;
	s8 =	sld [smem:$0x3FB4]  }
0x2e: {  	s3 =	simm.s32 @!p0 $0x1082;
	s9 =	sld [smem:$0x3FB5]  }
0x2f: {  	lr =	sadd.s32 s0, s3;
	s0 =	sld [smem:$0x3FAC]  }
0x30: {  	s3 =	sld [smem:$0x3FAF]  }
0x31: {  	[smem:$0x3FB8] =	sst s10  }
0x32: {  	s10 =	sld [smem:$0x3FB6];
	_ =	sdelay $0x3  }
0x33: {  	p0 =	seq.s32 s10, $0x1;
	s10 =	sld [smem:$0x3FB8];
	_ =	sdelay $0x3  }
0x34: {  	[smem:$0x3FB8] =	sst s10  }
0x35: {  	s10 =	sld [smem:$0x3FB7];
	_ =	sdelay $0x3  }
0x36: {  	p1 =	seq.s32 s10, $0x1;
	s10 =	sld [smem:$0x3FB8];
	_ =	sdelay $0x3  }
0x37: {  	[smem:$0x3FB8] =	sst s10  }
0x38: {  	s10 =	sld [smem:$0x3FB9]  }
0x39: {  	_ = 	snop;
	(pc) =	sbr.ind lr, $3  }
0x3a: {  	_ = 	snop  }
0x3b: {  	_ = 	snop  }
0x3c: {  	p2 =	seq.s32 s10, $0x1;
	s10 =	sld [smem:$0x3FB8]  }
0x3d: {  	_ =	shalt  }
0x3e: {  	_ =	shalt  }
0x3f: {  	_ =	shalt  }
0x40: {  	_ =	shalt  }
0x41: {  	_ =	shalt  }
0x42: {  	_ =	shalt  }
0x43: {  	_ =	shalt  }
0x44: {  	_ =	shalt  }
0x45: {  	_ =	shalt  }
0x46: {  	_ =	shalt  }
0x47: {  	_ =	shalt  }
0x48: {  	_ =	shalt  }
0x49: {  	_ =	shalt  }
0x4a: {  	_ =	shalt  }
0x4b: {  	_ =	shalt  }
0x4c: {  	_ =	shalt  }
0x4d: {  	_ =	shalt  }
0x4e: {  	_ =	shalt  }
0x4f: {  	_ =	shalt  }
0x50: {  	_ =	shalt  }
0x51: {  	_ =	shalt  }
0x52: {  	_ =	shalt  }
0x53: {  	_ =	shalt  }
0x54: {  	_ =	shalt  }
0x55: {  	_ =	shalt  }
0x56: {  	_ =	shalt  }
0x57: {  	_ =	shalt  }
0x58: {  	_ =	shalt  }
0x59: {  	_ =	shalt  }
0x5a: {  	_ =	shalt  }
0x5b: {  	_ =	shalt  }
0x5c: {  	_ =	shalt  }
0x5d: {  	_ =	shalt  }
0x5e: {  	_ =	shalt  }
0x5f: {  	_ =	shalt  }
0x60: {  	_ =	shalt  }
0x61: {  	_ =	shalt  }
0x62: {  	_ =	shalt  }
0x63: {  	_ =	shalt  }
0x64: {  	_ =	shalt  }
0x65: {  	_ =	shalt  }
0x66: {  	_ =	shalt  }
0x67: {  	_ =	shalt  }
0x68: {  	_ =	shalt  }
0x69: {  	_ =	shalt  }
0x6a: {  	_ =	shalt  }
0x6b: {  	_ =	shalt  }
0x6c: {  	_ =	shalt  }
0x6d: {  	_ =	shalt  }
0x6e: {  	_ =	shalt  }
0x6f: {  	_ =	shalt  }
0x70: {  	_ =	shalt  }
0x71: {  	_ =	shalt  }
0x72: {  	_ =	shalt  }
0x73: {  	_ =	shalt  }
0x74: {  	_ =	shalt  }
0x75: {  	_ =	shalt  }
0x76: {  	_ =	shalt  }
0x77: {  	_ =	shalt  }
0x78: {  	_ =	shalt  }
0x79: {  	_ =	shalt  }
0x7a: {  	_ =	shalt  }
0x7b: {  	_ =	shalt  }
0x7c: {  	_ =	shalt  }
0x7d: {  	_ =	shalt  }
0x7e: {  	_ =	shalt  }
0x7f: {  	_ =	shalt  }
0x80: {  	_ =	shalt  }
0x81: {  	_ =	shalt  }
0x82: {  	_ =	shalt  }
0x83: {  	_ =	shalt  }
0x84: {  	_ =	shalt  }
0x85: {  	_ =	shalt  }
0x86: {  	_ =	shalt  }
0x87: {  	_ =	shalt  }
.Lfunc_end0:
.L_simem_size_0:
called_computation_lowered:
.L_overlay_start_0:
0x88: {  	s2 =	sld [smem:$0x3FD9]  }
0x89: {  	s3 =	sld [smem:$0x3FFE];
	_ =	sdelay $0x1  }
0x8a: {  	s1 =	srdreg.scid  }
0x8b: {  	s0 =	sand.u32 $0x1, s1  }
0x8c: {  	s17 =	sshll.u32 s0, $0xA;
	s2 =	sadd.s32 s3, s2  }
0x8d: {  	s2 =	sadd.s32 s2, s17  }
0x8e: {  	[smem:$0x3FC4] =	sst s2  }
0x8f: {  	_ = 	snop  }
0x90: {  	s2 =	sld [smem:$0x3FD0];
	(tm) =	ssettm $0x1  }
0x91: {  	s18 =	sld [smem:$0x3FFB];
	_ =	sdelay $0x3  }
0x92: {  	_ =	strace s18  }
0x93: {  	s3 =	sld [smem:$0x3FFC];
	_ =	sdelay $0x3  }
0x94: {  	_ =	strace s3  }
0x95: {  	s3 =	sld [smem:$0x3FFD];
	_ =	sdelay $0x3  }
0x96: {  	_ =	strace s3  }
0x97: {  	_ =	strace $0x8FFFFFFF  }
0x98: {  	s19 =	sld [smem:$0x3FDB];
	_ =	sdelay $0x1  }
0x99: {  	s4 =	simm.s32 $_scs_section_size  }
0x9a: {  	s5 =	simm.s32 $_size__tile_overlayer_lowered;
	s6 =	simm.s32 $_tile_overlayer_lowered  }
0x9b: {  	s22 =	simm.s32 $0x1BFF;
	s21 =	sshll.u32 s6, $0x1;
	s3 =	sadd.s32 s4, s19  }
0x9c: {  	s7 =	simm.s32 $0x0;
	s20 =	sshll.u32 s5, $0x1;
	s5 =	sadd.s32 s21, s3  }
0x9d: {  	[timem:s7], [sflag:s22] =	dma.local [hbm:s5], s20  }
0x9e: {  	_ =	swait.ge [sflag:s22], s20  }
0x9f: {  	s4 =	ssub.s32 $0x0, s20;
	[sflag:s22] =	ssyncset.done $0x0  }
0xa0: {  	[sflag:s22] =	ssyncadd.s32 s4;
	_ =	sdelay $0x1  }
0xa1: {  	s23 =	simm.s32 $0x1B8B  }
0xa2: {  	_ =	swait.ge [sflag:s23], $0x1  }
0xa3: {  	[sflag:s23] =	ssyncset.done $0x0  }
0xa4: {  	s25 =	simm.s32 $0x1B8E;
	s24 =	sld [smem:$0x3FFE];
	[sflag:s23] =	ssyncadd.s32 $0xFFFFFFFF  }
0xa5: {  	s26 =	simm.s32 $execute0_lowered;
	[smem:$0x3FD2] =	sst s25  }
0xa6: {  	s5 =	sshll.u32 s26, $0x1;
	_ =	strace $0x80000046;
	[dreg:$0x1] =	wrdreg $0xFFFFFFFF  }
0xa7: {  	s28 =	simm.s32 $_size_execute0_lowered;
	s3 =	sadd.s32 s3, s5;
	[dreg:$0x0] =	wrdreg $0x0  }
0xa8: {  	s5 =	sshll.u32 s28, $0x1;
	[dreg:$0x2] =	wrdreg s3  }
0xa9: {  	[dreg:$0x3] =	wrdreg s5  }
0xaa: {  	[dreg:$0x4] =	wrdreg $0xC0  }
0xab: {  	_ =	task [dreg:s7], $0x5FFFF  }
0xac: {  	[dreg:$0x1] =	wrdreg $0xFFFFFFFF  }
0xad: {  	[dreg:$0x0] =	wrdreg $0x60  }
0xae: {  	[dreg:$0x2] =	wrdreg s24  }
0xaf: {  	[dreg:$0x3] =	wrdreg s2  }
0xb0: {  	[dreg:$0x4] =	wrdreg $0x9  }
0xb1: {  	_ =	task.clear_ibuf [dreg:s7], $0x5FFFF;
	_ =	strace $0x90000046  }
0xb2: {  	s29 =	simm.s32 $0x9;
	_ =	strace $0x80000048  }
0xb3: {  	_ =	swait.ge [sflag:s29], $0x1  }
0xb4: {  	[sflag:s29] =	ssyncadd.s32 $0xFFFFFFFF  }
0xb5: {  	_ =	strace $0x90000048  }
0xb6: {  	_ =	sfence  }
0xb7: {  	s30 =	sld [smem:$0x0];
	_ =	sdelay $0x2  }
0xb8: {  	s31 =	sshll.u32 s1, $0xD;
	s1 =	sshrl.u32 s1, $0x2  }
0xb9: {  	s3 =	sand.u32 $0x4000, s31;
	s1 =	sadd.s32 s1, s30  }
0xba: {  	s0 =	sor.u32 s3, s0;
	s1 =	sshll.u32 s1, $0x11  }
0xbb: {  	s0 =	sor.u32 s1, s0  }
0xbc: {  	s0 =	sadd.s32 $0x8F2B, s0  }
0xbd: {  	[sflag:s0] =	ssyncadd.remote.s32 $0x1  }
0xbe: {  	_ =	sfence.sel $0xFFFF  }
0xbf: {  	[dreg:$0x0] =	wrdreg $0xFFFFFFFF;
	(pc) =	sbr.abs _section_cstart, $3  }
0xc0: {  	[dreg:$0x1] =	wrdreg $0xFFFFFFFF  }
0xc1: {  	_ =	task.clear_ibuf [dreg:s7], $0x2FFFF;
	_ =	strace $0x9FFFFFFF  }
0xc2: {  	(tm) =	ssettm $0x7FFFFFFF  }
0xc3: {  	_ =	shalt  }
tec
execute0_lowered:
.L_overlay_start_1:
0x0: {  	(tag) =	ssettag $0x1  }
0x1: {  	s1 =	srdreg.scid;
	s4 =	rddreg [dreg:$0x0]  }
0x2: {  	s0 =	stileid.u32;
	s5 =	rddreg [dreg:$0x1];
	s18 =	simm.s32 $0x880  }
0x3: {  	s19 =	simm.s32 $0x1080;
	s20 =	simm.s32 $0x1880;
	s21 =	simm.s32 $0x2080  }
0x4: {  	s23 =	simm.s32 $0x2880;
	s24 =	simm.s32 $0x3080;
	s25 =	simm.s32 $0x3880  }
0x5: {  	s26 =	simm.s32 $0x4080;
	s7 =	simm.s32 $0x80;
	s9 =	simm.s32 $0x5080  }
0x6: {  	s10 =	simm.s32 $0x5880;
	s11 =	simm.s32 $0x6080;
	s1 =	sand.u32 $0x1, s1  }
0x7: {  	s12 =	simm.s32 $0x6880;
	s2 =	sshll.u32 s0, $0x8;
	s3 =	sshll.u32 s1, $0x7  }
0x8: {  	s13 =	simm.s32 $0x7080;
	s3 =	sor.u32 s3, s2;
	s2 =	simm.s32 $0x0  }
0x9: {  	s14 =	simm.s32 $0x7880;
	s15 =	simm.s32 $0x8080;
	[smem:$0x7FF] =	sst s2  }
0xa: {  	s16 =	simm.s32 $0x8880;
	_ =	strace $0x80000047;
	[dreg:$0x5] =	wrdreg s18  }
0xb: {  	s17 =	simm.s32 $0x9080;
	s28 =	simm.s32 $0xE080;
	[dreg:$0x6] =	wrdreg s19  }
0xc: {  	s29 =	simm.s32 $0xE880;
	s30 =	simm.s32 $0xF080;
	[dreg:$0x7] =	wrdreg s20  }
0xd: {  	s31 =	simm.s32 $0xF880;
	s1 =	ssub.s32 $0x2, s1;
	[dreg:$0x8] =	wrdreg s21  }
0xe: {  	s22 =	sshrl.u32 s1, $0x1;
	s6 =	sshrl.u32 s3, $0x3;
	[dreg:$0x9] =	wrdreg s23  }
0xf: {  	s3 =	sshll.u32 s3, $0x6;
	s1 =	ssub.s32 s1, s22;
	[dreg:$0xa] =	wrdreg s24  }
0x10: {  	s22 =	simm.s32 $0xB880;
	s6 =	sadd.s32 s6, s4;
	[dreg:$0xb] =	wrdreg s25  }
0x11: {  	s3 =	sadd.s32 s5, s3;
	s5 =	smax.u32 s1, $0x1;
	[dreg:$0xc] =	wrdreg s26  }
0x12: {  	s18 =	simm.s32 $0x9880;
	s19 =	simm.s32 $0xA080;
	s20 =	simm.s32 $0xA880  }
0x13: {  	s21 =	simm.s32 $0xB080;
	s23 =	simm.s32 $0xC080;
	s24 =	simm.s32 $0xC880  }
0x14: {  	v2 =	vlaneseq.u32;
	s25 =	simm.s32 $0xD080;
	s26 =	simm.s32 $0xD880;
	s1 =	simm.s32 $0x1  }
0x15: {  	vm0 =	vmmov $0xffff;
	v1 =	vshrl.u32 v2, $0x3;
	s6 =	sadd.s32 $0x1000, s6;
	[dreg:$0x4] =	wrdreg s3;
	s3 =	sadd.s32 $0x1200, s4  }
0x16: {  	v0 =	vand.u32 $0x7, v2;
	v2 =	vor.u32 $0x8, v2;
	v1 =	vmul.u32 $0x8, v1;
	s4 =	sadd.s32 $0x1300, s4;
	[dreg:$0x3] =	wrdreg s6;
	s6 =	simm.s32 $0x2  }
.LBB2_1:
0x17: {  	s0 =	rddreg [dreg:$0x3]  }
0x18: {  	[tilespmem:s2], [sflag:$0x2] =	stream.linear.gather [hbm4b:s0+s2], $0x80, $0x38;
	[tilespmem:$0x10080] =	vst v63  }
0x19: {  	_ =	swait.ge [sflag:s6], $0x80  }
0x1a: {  	[sflag:s6] =	ssyncset.done $0x0  }
0x1b: {  	[sflag:s6] =	ssyncadd.s32 $0xFFFFFF80  }
0x1c: {  	v3 =	vld [tilespmem:$0x0];
	_ =	sdelay $0x4  }
0x1d: {  	v4 =	vshll.u32 v3, $0x2  }
0x1e: {  	v3 =	vand.u32 $0x7, v3;
	v4 =	vand.u32 $0xFFFFFFE0, v4  }
0x1f: {  	v3 =	vor.u32 v3, v4  }
0x20: {  	v4 =	vperm.xlane v3, v0;
	_ =	sdelay $0x1  }
0x21: {  	v4 =	vadd.s32 v1, v4;
	_ =	sdelay $0x1  }
0x22: {  	v3 =	vperm.xlane v3, v2;
	_ =	sdelay $0x1  }
0x23: {  	v3 =	vadd.s32 v1, v3  }
0x24: {  	[tilespmem:s7], [sflag:$0x1] =	stream.indirect_vreg.gather [hbm4b:s3+s2], $0x80, v4, vm0, $0xb8;
	[tilespmem:$0x10080] =	vst v63  }
0x25: {  	s0 =	rddreg [dreg:$0x5]  }
0x26: {  	[tilespmem:s0], [sflag:$0x1] =	stream.indirect_vreg.gather [hbm4b:s4+s2], $0x80, v4, vm0, $0xb8;
	[tilespmem:$0x10080] =	vst v63  }
0x27: {  	s8 =	rddreg [dreg:$0x6]  }
0x28: {  	[tilespmem:s8], [sflag:$0x1] =	stream.indirect_vreg.gather [hbm4b:s3+s2], $0x80, v3, vm0, $0xb8;
	[tilespmem:$0x10080] =	vst v63  }
0x29: {  	s0 =	rddreg [dreg:$0x7]  }
0x2a: {  	[tilespmem:s0], [sflag:$0x1] =	stream.indirect_vreg.gather [hbm4b:s4+s2], $0x80, v3, vm0, $0xb8;
	[tilespmem:$0x10080] =	vst v63  }
0x2b: {  	v3 =	vld [tilespmem:$0x10];
	_ =	sdelay $0x4  }
0x2c: {  	v57 =	vshll.u32 v3, $0x2  }
0x2d: {  	v3 =	vand.u32 $0x7, v3;
	v4 =	vand.u32 $0xFFFFFFE0, v57  }
0x2e: {  	v3 =	vor.u32 v3, v4  }
0x2f: {  	v4 =	vperm.xlane v3, v0;
	_ =	sdelay $0x1  }
0x30: {  	v4 =	vadd.s32 v1, v4;
	_ =	sdelay $0x1  }
0x31: {  	v3 =	vperm.xlane v3, v2;
	_ =	sdelay $0x1  }
0x32: {  	s0 =	rddreg [dreg:$0x8];
	v3 =	vadd.s32 v1, v3  }
0x33: {  	[tilespmem:s0], [sflag:$0x1] =	stream.indirect_vreg.gather [hbm4b:s3+s2], $0x80, v4, vm0, $0xb8;
	[tilespmem:$0x10080] =	vst v63  }
0x34: {  	s8 =	rddreg [dreg:$0x9]  }
0x35: {  	[tilespmem:s8], [sflag:$0x1] =	stream.indirect_vreg.gather [hbm4b:s4+s2], $0x80, v4, vm0, $0xb8;
	[tilespmem:$0x10080] =	vst v63  }
0x36: {  	s0 =	rddreg [dreg:$0xa]  }
0x37: {  	[tilespmem:s0], [sflag:$0x1] =	stream.indirect_vreg.gather [hbm4b:s3+s2], $0x80, v3, vm0, $0xb8;
	[tilespmem:$0x10080] =	vst v63  }
0x38: {  	s8 =	rddreg [dreg:$0xb]  }
0x39: {  	[tilespmem:s8], [sflag:$0x1] =	stream.indirect_vreg.gather [hbm4b:s4+s2], $0x80, v3, vm0, $0xb8;
	[tilespmem:$0x10080] =	vst v63  }
0x3a: {  	v3 =	vld [tilespmem:$0x20];
	_ =	sdelay $0x4  }
0x3b: {  	v58 =	vshll.u32 v3, $0x2  }
0x3c: {  	v3 =	vand.u32 $0x7, v3;
	v4 =	vand.u32 $0xFFFFFFE0, v58  }
0x3d: {  	v3 =	vor.u32 v3, v4  }
0x3e: {  	v4 =	vperm.xlane v3, v0;
	_ =	sdelay $0x1  }
0x3f: {  	v4 =	vadd.s32 v1, v4;
	_ =	sdelay $0x1  }
0x40: {  	v3 =	vperm.xlane v3, v2;
	_ =	sdelay $0x1  }
0x41: {  	s8 =	rddreg [dreg:$0xc];
	v3 =	vadd.s32 v1, v3  }
0x42: {  	[tilespmem:s8], [sflag:$0x1] =	stream.indirect_vreg.gather [hbm4b:s3+s2], $0x80, v4, vm0, $0xb8;
	[tilespmem:$0x10080] =	vst v63  }
0x43: {  	s8 =	simm.s32 $0x4880  }
0x44: {  	[tilespmem:s8], [sflag:$0x1] =	stream.indirect_vreg.gather [hbm4b:s4+s2], $0x80, v4, vm0, $0xb8;
	[tilespmem:$0x10080] =	vst v63  }
0x45: {  	_ = 	snop  }
0x46: {  	[tilespmem:s9], [sflag:$0x1] =	stream.indirect_vreg.gather [hbm4b:s3+s2], $0x80, v3, vm0, $0xb8;
	[tilespmem:$0x10080] =	vst v63  }
0x47: {  	_ = 	snop  }
0x48: {  	[tilespmem:s10], [sflag:$0x1] =	stream.indirect_vreg.gather [hbm4b:s4+s2], $0x80, v3, vm0, $0xb8;
	[tilespmem:$0x10080] =	vst v63  }
0x49: {  	v3 =	vld [tilespmem:$0x30];
	_ =	sdelay $0x4  }
0x4a: {  	v59 =	vshll.u32 v3, $0x2  }
0x4b: {  	v3 =	vand.u32 $0x7, v3;
	v4 =	vand.u32 $0xFFFFFFE0, v59  }
0x4c: {  	v3 =	vor.u32 v3, v4  }
0x4d: {  	v4 =	vperm.xlane v3, v0;
	_ =	sdelay $0x1  }
0x4e: {  	v4 =	vadd.s32 v1, v4;
	_ =	sdelay $0x1  }
0x4f: {  	v3 =	vperm.xlane v3, v2;
	_ =	sdelay $0x1  }
0x50: {  	v3 =	vadd.s32 v1, v3  }
0x51: {  	[tilespmem:s11], [sflag:$0x1] =	stream.indirect_vreg.gather [hbm4b:s3+s2], $0x80, v4, vm0, $0xb8;
	[tilespmem:$0x10080] =	vst v63  }
0x52: {  	_ = 	snop  }
0x53: {  	[tilespmem:s12], [sflag:$0x1] =	stream.indirect_vreg.gather [hbm4b:s4+s2], $0x80, v4, vm0, $0xb8;
	[tilespmem:$0x10080] =	vst v63  }
0x54: {  	_ = 	snop  }
0x55: {  	[tilespmem:s13], [sflag:$0x1] =	stream.indirect_vreg.gather [hbm4b:s3+s2], $0x80, v3, vm0, $0xb8;
	[tilespmem:$0x10080] =	vst v63  }
0x56: {  	_ = 	snop  }
0x57: {  	[tilespmem:s14], [sflag:$0x1] =	stream.indirect_vreg.gather [hbm4b:s4+s2], $0x80, v3, vm0, $0xb8;
	[tilespmem:$0x10080] =	vst v63  }
0x58: {  	v3 =	vld [tilespmem:$0x40];
	_ =	sdelay $0x4  }
0x59: {  	v60 =	vshll.u32 v3, $0x2  }
0x5a: {  	v3 =	vand.u32 $0x7, v3;
	v4 =	vand.u32 $0xFFFFFFE0, v60  }
0x5b: {  	v3 =	vor.u32 v3, v4  }
0x5c: {  	v4 =	vperm.xlane v3, v0;
	_ =	sdelay $0x1  }
0x5d: {  	v4 =	vadd.s32 v1, v4;
	_ =	sdelay $0x1  }
0x5e: {  	v3 =	vperm.xlane v3, v2;
	_ =	sdelay $0x1  }
0x5f: {  	v3 =	vadd.s32 v1, v3  }
0x60: {  	[tilespmem:s15], [sflag:$0x1] =	stream.indirect_vreg.gather [hbm4b:s3+s2], $0x80, v4, vm0, $0xb8;
	[tilespmem:$0x10080] =	vst v63  }
0x61: {  	_ = 	snop  }
0x62: {  	[tilespmem:s16], [sflag:$0x1] =	stream.indirect_vreg.gather [hbm4b:s4+s2], $0x80, v4, vm0, $0xb8;
	[tilespmem:$0x10080] =	vst v63  }
0x63: {  	_ = 	snop  }
0x64: {  	[tilespmem:s17], [sflag:$0x1] =	stream.indirect_vreg.gather [hbm4b:s3+s2], $0x80, v3, vm0, $0xb8;
	[tilespmem:$0x10080] =	vst v63  }
0x65: {  	_ = 	snop  }
0x66: {  	[tilespmem:s18], [sflag:$0x1] =	stream.indirect_vreg.gather [hbm4b:s4+s2], $0x80, v3, vm0, $0xb8;
	[tilespmem:$0x10080] =	vst v63  }
0x67: {  	v3 =	vld [tilespmem:$0x50];
	_ =	sdelay $0x4  }
0x68: {  	v61 =	vshll.u32 v3, $0x2  }
0x69: {  	v3 =	vand.u32 $0x7, v3;
	v4 =	vand.u32 $0xFFFFFFE0, v61  }
0x6a: {  	v3 =	vor.u32 v3, v4  }
0x6b: {  	v4 =	vperm.xlane v3, v0;
	_ =	sdelay $0x1  }
0x6c: {  	v4 =	vadd.s32 v1, v4;
	_ =	sdelay $0x1  }
0x6d: {  	v3 =	vperm.xlane v3, v2;
	_ =	sdelay $0x1  }
0x6e: {  	v3 =	vadd.s32 v1, v3  }
0x6f: {  	[tilespmem:s19], [sflag:$0x1] =	stream.indirect_vreg.gather [hbm4b:s3+s2], $0x80, v4, vm0, $0xb8;
	[tilespmem:$0x10080] =	vst v63  }
0x70: {  	_ = 	snop  }
0x71: {  	[tilespmem:s20], [sflag:$0x1] =	stream.indirect_vreg.gather [hbm4b:s4+s2], $0x80, v4, vm0, $0xb8;
	[tilespmem:$0x10080] =	vst v63  }
0x72: {  	_ = 	snop  }
0x73: {  	[tilespmem:s21], [sflag:$0x1] =	stream.indirect_vreg.gather [hbm4b:s3+s2], $0x80, v3, vm0, $0xb8;
	[tilespmem:$0x10080] =	vst v63  }
0x74: {  	_ = 	snop  }
0x75: {  	[tilespmem:s22], [sflag:$0x1] =	stream.indirect_vreg.gather [hbm4b:s4+s2], $0x80, v3, vm0, $0xb8;
	[tilespmem:$0x10080] =	vst v63  }
0x76: {  	v3 =	vld [tilespmem:$0x60];
	_ =	sdelay $0x4  }
0x77: {  	v62 =	vshll.u32 v3, $0x2  }
0x78: {  	v3 =	vand.u32 $0x7, v3;
	v4 =	vand.u32 $0xFFFFFFE0, v62  }
0x79: {  	v3 =	vor.u32 v3, v4  }
0x7a: {  	v4 =	vperm.xlane v3, v0;
	_ =	sdelay $0x1  }
0x7b: {  	v4 =	vadd.s32 v1, v4;
	_ =	sdelay $0x1  }
0x7c: {  	v3 =	vperm.xlane v3, v2;
	_ =	sdelay $0x1  }
0x7d: {  	v3 =	vadd.s32 v1, v3  }
0x7e: {  	[tilespmem:s23], [sflag:$0x1] =	stream.indirect_vreg.gather [hbm4b:s3+s2], $0x80, v4, vm0, $0xb8;
	[tilespmem:$0x10080] =	vst v63  }
0x7f: {  	_ = 	snop  }
0x80: {  	[tilespmem:s24], [sflag:$0x1] =	stream.indirect_vreg.gather [hbm4b:s4+s2], $0x80, v4, vm0, $0xb8;
	[tilespmem:$0x10080] =	vst v63  }
0x81: {  	_ = 	snop  }
0x82: {  	[tilespmem:s25], [sflag:$0x1] =	stream.indirect_vreg.gather [hbm4b:s3+s2], $0x80, v3, vm0, $0xb8;
	[tilespmem:$0x10080] =	vst v63  }
0x83: {  	_ = 	snop  }
0x84: {  	[tilespmem:s26], [sflag:$0x1] =	stream.indirect_vreg.gather [hbm4b:s4+s2], $0x80, v3, vm0, $0xb8;
	[tilespmem:$0x10080] =	vst v63  }
0x85: {  	v3 =	vld [tilespmem:$0x70];
	_ =	sdelay $0x4  }
0x86: {  	v63 =	vshll.u32 v3, $0x2  }
0x87: {  	v3 =	vand.u32 $0x7, v3;
	v4 =	vand.u32 $0xFFFFFFE0, v63  }
0x88: {  	v3 =	vor.u32 v3, v4  }
0x89: {  	v4 =	vperm.xlane v3, v0;
	_ =	sdelay $0x1  }
0x8a: {  	v4 =	vadd.s32 v1, v4;
	_ =	sdelay $0x1  }
0x8b: {  	v3 =	vperm.xlane v3, v2;
	_ =	sdelay $0x1  }
0x8c: {  	v3 =	vadd.s32 v1, v3  }
0x8d: {  	[tilespmem:s28], [sflag:$0x1] =	stream.indirect_vreg.gather [hbm4b:s3+s2], $0x80, v4, vm0, $0xb8;
	[tilespmem:$0x10080] =	vst v63  }
0x8e: {  	_ = 	snop  }
0x8f: {  	[tilespmem:s29], [sflag:$0x1] =	stream.indirect_vreg.gather [hbm4b:s4+s2], $0x80, v4, vm0, $0xb8;
	[tilespmem:$0x10080] =	vst v63  }
0x90: {  	_ = 	snop  }
0x91: {  	[tilespmem:s30], [sflag:$0x1] =	stream.indirect_vreg.gather [hbm4b:s3+s2], $0x80, v3, vm0, $0xb8;
	[tilespmem:$0x10080] =	vst v63  }
0x92: {  	_ = 	snop  }
0x93: {  	[tilespmem:s31], [sflag:$0x1] =	stream.indirect_vreg.gather [hbm4b:s4+s2], $0x80, v3, vm0, $0xb8;
	[tilespmem:$0x10080] =	vst v63  }
0x94: {  	_ =	swait.ge [sflag:s1], $0x10000  }
0x95: {  	p0 =	sne.s32 s5, $0x1;
	[sflag:s1] =	ssyncset.done $0x0  }
.Ltmp0:
0x96: {  	s8 =	rddreg [dreg:$0x4];
	[sflag:s1] =	ssyncadd.s32 $0xFFFF0000;
	(pc) =	sbr.rel @p0 .LBB2_1-.Ltmp0, $4  }
0x97: {  	[hbm4b:s8+s2] =	stream.linear.scatter [tilespmem:s7], [sflag:$0x2], $0x10000, $0x38;
	[tilespmem:$0x10080] =	vst v63  }
0x98: {  	_ =	swait.ge [sflag:s6], $0x10000  }
0x99: {  	[sflag:s6] =	ssyncset.done $0x0  }
0x9a: {  	s5 =	sadd.s32 $0xFFFFFFFF, s5;
	[sflag:s6] =	ssyncadd.s32 $0xFFFF0000  }
0x9b: {  	_ =	sfence.sel $0x180000  }
0x9c: {  	[bflag:$0x0] =	sbarrier.arrive $0xFFFF  }
0x9d: {  	_ =	strace $0x90000047  }
0x9e: {  	s0 =	stileid.u32;
	[bflag:$0x2] =	sbarrier.arrive $0xFFFF  }
0x9f: {  	p0 =	sne.s32 s0, $0x0;
	s0 =	rddreg [dreg:$0x2]  }
0xa0: {  	s0 =	sadd.s32 @!p0 $0x100000, s0  }
0xa1: {  	[sflag:s0] =	ssyncadd.tile.s32 @!p0 $0x1;
	_ =	shalt  }
.Lfunc_end2:
_tile_overlayer_lowered:
.L_overlay_start_2:
0xa2: {  	(tag) =	ssettag $0x2  }
0xa3: {  	s0 =	rddreg [dreg:$0x0];
	s2 =	stileid.u32  }
0xa4: {  	s1 =	rddreg [dreg:$0x1];
	p0 =	sne.s32 s2, $0x0  }
0xa5: {  	s3 =	rddreg [dreg:$0x2];
	[bflag:$0x3] =	sbarrier.arrive $0xFFFF;
	s2 =	simm.s32 @!p0 $0x1C02  }
0xa6: {  	[timem:s3], [sflag:s2] =	dma.local @!p0 [hbm:s0], s1  }
0xa7: {  	s0 =	simm.s32 @!p0 $0x2  }
0xa8: {  	_ =	swait.ge @!p0 [sflag:s0], s1  }
0xa9: {  	s1 =	ssub.s32 @!p0 $0x0, s1;
	[sflag:s0] =	ssyncset.done @!p0 $0x0  }
0xaa: {  	[sflag:s0] =	ssyncadd.s32 @!p0 s1  }
0xab: {  	[bflag:$0x3] =	sbarrier.arrive $0xFFFF  }
0xac: {  	_ =	shalt  }

</sc_bundles>
